<compile_context>
chip_gen: v7x
topology: tpu7x:2x2x1
jax: 0.10.2.dev20260603
libtpu: 0.0.44.dev20260713+nightly
codegen_flags: <defaults>
</compile_context>

<pallas_src>
import functools

import jax
import jax.numpy as jnp
from jax import lax
from jax.experimental import pallas as pl
from jax.experimental.pallas import tpu as pltpu
from jax.experimental.pallas import tpu_sc as plsc

_NC = 2
_NS = 16
_NW = _NC * _NS

_CHUNK = 16


@functools.cache
def _make_gather(V, D, N):
    b_per_w = N // _NW
    n_chunks = b_per_w // _CHUNK
    mesh = plsc.VectorSubcoreMesh(core_axis_name="c", subcore_axis_name="s")

    @functools.partial(
        pl.kernel,
        mesh=mesh,
        out_type=jax.ShapeDtypeStruct((N, D), jnp.float32),
        scratch_types=[
            pltpu.VMEM((b_per_w,), jnp.int32),
            pltpu.VMEM((_CHUNK, D), jnp.float32),
            pltpu.SemaphoreType.DMA,
        ],
    )
    def gather_kernel(ids_hbm, table_hbm, out_hbm, idx_v, rows_v, sem):
        wid = lax.axis_index("s") * _NC + lax.axis_index("c")
        base = wid * b_per_w
        pltpu.sync_copy(ids_hbm.at[pl.ds(base, b_per_w)], idx_v)

        def body(c, carry):
            off = pl.multiple_of(c * _CHUNK, 8)
            pltpu.async_copy(
                table_hbm.at[idx_v.at[pl.ds(off, _CHUNK)]], rows_v, sem
            ).wait()
            pltpu.sync_copy(rows_v, out_hbm.at[pl.ds(base + off, _CHUNK)])
            return carry

        lax.fori_loop(0, n_chunks, body, 0)

    return gather_kernel


def kernel(input_ids, embed_table):
    B, S = input_ids.shape
    V, D = embed_table.shape
    ids = input_ids.reshape(-1).astype(jnp.int32)
    out = _make_gather(V, D, ids.shape[0])(ids, embed_table)
    return out.reshape(B, S, D)

# --- scband reference (transcript-rebuilt; emitter-appended) ---
"""Pipeline reference for scband-embedding-7799660610021 (READ-ONLY COPY).

The authoritative reference and input builder live on the scoring server;
editing this copy changes nothing except your own understanding.
"""

import jax, jax.numpy as jnp
import numpy as np

VOCAB = 100000
D_MODEL = 2048
BATCH = 4
SEQ = 4096

def setup_inputs(seed: int = 0) -> dict:
    key = jax.random.key(seed)
    k_ids, k_tab = jax.random.split(key)
    input_ids = jax.random.randint(k_ids, (BATCH, SEQ), 0, VOCAB, dtype=jnp.int64)
    embed_table = jax.random.normal(k_tab, (VOCAB, D_MODEL), dtype=jnp.float32) * 0.02
    return {"input_ids": input_ids, "embed_table": embed_table}

def reference(input_ids, embed_table):
    # Faithful translation of transformer.embed_tokens(input_ids).float()
    out = jnp.take(embed_table, input_ids, axis=0)
    return out.astype(jnp.float32)

if __name__ == "__main__":
    import jax
    _d = setup_inputs()
    print(jax.jit(kernel)(*tuple(_d.values())))

</pallas_src>

<mosaic_0001>
#map = affine_map<(d0, d1) -> (0)>
#map1 = affine_map<(d0, d1) -> (0, 0)>
module attributes {stable_mosaic.version = 14 : i64} {
  func.func @gather_kernel(%arg0: i32, %arg1: i32, %arg2: memref<16384xi32, #tpu.memory_space<hbm>>, %arg3: memref<100000x2048xf32, #tpu.memory_space<hbm>>, %arg4: memref<16384x2048xf32, #tpu.memory_space<hbm>>, %arg5: memref<512xi32, #tpu.memory_space<vmem>>, %arg6: memref<16x2048xf32, #tpu.memory_space<vmem>>, %arg7: memref<!tpu.dma_semaphore, #tpu.memory_space<semaphore_mem>>) attributes {dimension_semantics = [#tpu.dimension_semantics<core_parallel>, #tpu.dimension_semantics<subcore_parallel>], iteration_bounds = array<i64: 2, 16>, scalar_prefetch = 0 : i64, scratch_operands = 3 : i64, tpu.core_type = #tpu.core_type<sc_vector_subcore>, window_params = [{transform_indices = #map}, {transform_indices = #map1}, {transform_indices = #map1}]} {
    %mul3A = arith.constant 2 : i32
    %mul3A_0 = arith.muli %arg1, %mul3A : i32
    %add3A = arith.addi %mul3A_0, %arg0 : i32
    %mul3A_1 = arith.constant 512 : i32
    %mul3A_2 = arith.muli %add3A, %mul3A_1 : i32
    "tpu.region"() ({
      %run_scoped3A = tpu.sem_alloc : memref<!tpu.dma_semaphore, #tpu.memory_space<semaphore_mem>>
      %dma_start3A = tpu.memref_slice %arg2[%mul3A_2] : memref<16384xi32, #tpu.memory_space<hbm>> -> memref<512xi32, #tpu.memory_space<hbm>>
      %dma_start3A_8 = tpu.memref_slice %arg2[%mul3A_2] : memref<16384xi32, #tpu.memory_space<hbm>> -> memref<512xi32, #tpu.memory_space<hbm>>
      tpu.enqueue_dma source(%dma_start3A_8 : memref<512xi32, #tpu.memory_space<hbm>>) target(%arg5 : memref<512xi32, #tpu.memory_space<vmem>>) target_semaphore(%run_scoped3A : memref<!tpu.dma_semaphore, #tpu.memory_space<semaphore_mem>>)
      %dma_wait3A = tpu.memref_slice %arg2[%mul3A_2] : memref<16384xi32, #tpu.memory_space<hbm>> -> memref<512xi32, #tpu.memory_space<hbm>>
      %dma_wait3A_9 = tpu.memref_slice %arg2[%mul3A_2] : memref<16384xi32, #tpu.memory_space<hbm>> -> memref<512xi32, #tpu.memory_space<hbm>>
      tpu.wait_dma2 semaphore(%run_scoped3A : memref<!tpu.dma_semaphore, #tpu.memory_space<semaphore_mem>>) src(%dma_wait3A_9 : memref<512xi32, #tpu.memory_space<hbm>>) dst(%arg5 : memref<512xi32, #tpu.memory_space<vmem>>)
      tpu.yield
    }) : () -> ()
    %scan3A = arith.constant 0 : i32
    %scan3A_3 = arith.constant 0 : i32
    %scan3A_4 = arith.constant 32 : i32
    %scan3A_5 = arith.addi %scan3A_3, %scan3A_4 : i32
    %scan3A_6 = arith.constant 1 : i32
    scf.for %scan3A_8 = %scan3A_3 to %scan3A_5 step %scan3A_6  : i32 {
      %mul3A_9 = arith.constant 16 : i32
      %mul3A_10 = arith.muli %scan3A_8, %mul3A_9 : i32
      %multiple_of3A = tpu.assume_multiple %mul3A_10, 8 : i32
      %dma_start3A = tpu.memref_slice %arg5[%multiple_of3A] : memref<512xi32, #tpu.memory_space<vmem>> -> memref<16xi32, #tpu.memory_space<vmem>>
      %dma_start3A_11 = arith.constant 0 : i32
      %dma_start3A_12 = arith.constant 0 : i32
      %dma_start3A_13 = tpu.memref_slice %arg3[%dma_start3A_11, %dma_start3A_12] : memref<100000x2048xf32, #tpu.memory_space<hbm>> -> memref<100000x2048xf32, #tpu.memory_space<hbm>>
      tpu.enqueue_indirect_dma source(%dma_start3A_13 : memref<100000x2048xf32, #tpu.memory_space<hbm>>) target(%arg6 : memref<16x2048xf32, #tpu.memory_space<vmem>>) offsets(%dma_start3A : memref<16xi32, #tpu.memory_space<vmem>>) semaphore(%arg7 : memref<!tpu.dma_semaphore, #tpu.memory_space<semaphore_mem>>)
      %dma_wait3A = tpu.memref_slice %arg5[%multiple_of3A] : memref<512xi32, #tpu.memory_space<vmem>> -> memref<16xi32, #tpu.memory_space<vmem>>
      %dma_wait3A_14 = arith.constant 0 : i32
      %dma_wait3A_15 = arith.constant 0 : i32
      %dma_wait3A_16 = tpu.memref_slice %arg3[%dma_wait3A_14, %dma_wait3A_15] : memref<100000x2048xf32, #tpu.memory_space<hbm>> -> memref<100000x2048xf32, #tpu.memory_space<hbm>>
      tpu.wait_indirect_dma semaphore(%arg7 : memref<!tpu.dma_semaphore, #tpu.memory_space<semaphore_mem>>) src(%dma_wait3A_16 : memref<100000x2048xf32, #tpu.memory_space<hbm>>) dst(%arg6 : memref<16x2048xf32, #tpu.memory_space<vmem>>)
      %add3A_17 = arith.addi %mul3A_2, %multiple_of3A : i32
      "tpu.region"() ({
        %run_scoped3A = tpu.sem_alloc : memref<!tpu.dma_semaphore, #tpu.memory_space<semaphore_mem>>
        %dma_start3A_18 = arith.constant 0 : i32
        %dma_start3A_19 = tpu.memref_slice %arg4[%add3A_17, %dma_start3A_18] : memref<16384x2048xf32, #tpu.memory_space<hbm>> -> memref<16x2048xf32, #tpu.memory_space<hbm>>
        %dma_start3A_20 = arith.constant 0 : i32
        %dma_start3A_21 = tpu.memref_slice %arg4[%add3A_17, %dma_start3A_20] : memref<16384x2048xf32, #tpu.memory_space<hbm>> -> memref<16x2048xf32, #tpu.memory_space<hbm>>
        tpu.enqueue_dma source(%arg6 : memref<16x2048xf32, #tpu.memory_space<vmem>>) target(%dma_start3A_21 : memref<16x2048xf32, #tpu.memory_space<hbm>>) target_semaphore(%run_scoped3A : memref<!tpu.dma_semaphore, #tpu.memory_space<semaphore_mem>>)
        %dma_wait3A_22 = arith.constant 0 : i32
        %dma_wait3A_23 = tpu.memref_slice %arg4[%add3A_17, %dma_wait3A_22] : memref<16384x2048xf32, #tpu.memory_space<hbm>> -> memref<16x2048xf32, #tpu.memory_space<hbm>>
        %dma_wait3A_24 = arith.constant 0 : i32
        %dma_wait3A_25 = tpu.memref_slice %arg4[%add3A_17, %dma_wait3A_24] : memref<16384x2048xf32, #tpu.memory_space<hbm>> -> memref<16x2048xf32, #tpu.memory_space<hbm>>
        tpu.wait_dma2 semaphore(%run_scoped3A : memref<!tpu.dma_semaphore, #tpu.memory_space<semaphore_mem>>) src(%arg6 : memref<16x2048xf32, #tpu.memory_space<vmem>>) dst(%dma_wait3A_25 : memref<16x2048xf32, #tpu.memory_space<hbm>>)
        tpu.yield
      }) : () -> ()
    }
    %scan3A_7 = arith.constant 32 : i32
    return
  }
}

</mosaic_0001>

<sc_bundles>
// kernel: kernel.3.cloned.1.call-start
scs
__scs_entry_jumppad:
0x0: {  	(pc) =	sbr.rel $0x88, $3  }
0x1: {  	(tag) =	ssettag $0x0;
	lr =	simm.s32 $0x1  }
0x2: {  	[smem:$0x3F9F] =	sst lr;
	_ =	strace $0xD0000000  }
0x3: {  	_ = 	snop  }
0x4: {  	_ = 	snop  }
0x5: {  	_ = 	snop  }
0x6: {  	_ = 	snop  }
0x7: {  	_ = 	snop  }
__scs_overlays_trampoline_lowered:
0x8: {  	[smem:$0x3FAE] =	sst s0  }
0x9: {  	[smem:$0x3FAF] =	sst s1  }
0xa: {  	[smem:$0x3FB0] =	sst s2  }
0xb: {  	[smem:$0x3FB1] =	sst s3  }
0xc: {  	[smem:$0x3FB2] =	sst s4  }
0xd: {  	[smem:$0x3FB3] =	sst s5  }
0xe: {  	[smem:$0x3FB4] =	sst s6  }
0xf: {  	[smem:$0x3FB5] =	sst s7  }
0x10: {  	[smem:$0x3FB6] =	sst s8  }
0x11: {  	[smem:$0x3FB7] =	sst s9;
	s0 =	simm.s32 @!p0 $0x0  }
0x12: {  	s1 =	sld [smem:$0x3F9D];
	s0 =	simm.s32 @p0 $0x1  }
0x13: {  	[smem:$0x3FB8] =	sst s0;
	s0 =	simm.s32 @!p1 $0x0  }
0x14: {  	s2 =	sld [smem:$0x3F9C];
	s0 =	simm.s32 @p1 $0x1  }
0x15: {  	[smem:$0x3FB9] =	sst s0;
	s0 =	simm.s32 @!p2 $0x0  }
0x16: {  	s3 =	sld [smem:$0x3FDB];
	s0 =	simm.s32 @p2 $0x1  }
0x17: {  	s4 =	simm.s32 $0x1BF5;
	[smem:$0x3FBB] =	sst s0  }
0x18: {  	s0 =	sld [smem:$0x3F9E];
	_ =	swait.ge [sflag:s4], $0x0  }
0x19: {  	s7 =	sld [smem:$0x3F9F]  }
0x1a: {  	s8 =	sadd.s32 $0xFFFFE003, lr  }
0x1b: {  	s9 =	sadd.s32 $0xFFFFFEF7, lr;
	s5 =	simm.s32 $0xFFFFFFFF;
	p2 =	slt.u32 s8, $0xFFFFF086  }
0x1c: {  	p1 =	slt.u32 s9, $0xF7A;
	s5 =	simm.s32 @!p2 $0x0  }
0x1d: {  	s5 =	simm.s32 @p1 $0x1;
	p0 =	seq.s32 s7, s2  }
0x1e: {  	s7 =	smul.u32 @!p0 $0xF7A, s2;
	p2 =	seq.s32 @!p0 s5, $0x0  }
0x1f: {  	s9 =	smul.u32 $0xF7A, s1;
	s8 =	simm.s32 @!p0 $0x1BF5;
	p2 =	por !p2, p0  }
0x20: {  	[sflag:s8] =	ssyncset.s32 @!p0 $0xFFFFF086;
	s6 =	sadd.s32 @!p0 s3, s7;
	s7 =	simm.s32 @!p0 $0x108  }
0x21: {  	s3 =	sadd.s32 s3, s9;
	s6 =	sadd.s32 @!p0 $0x88, s6;
	s7 =	simm.s32 @p2 $0x1082  }
0x22: {  	[simem:s7], [sflag:s8] =	dma.local @!p0 [hbm:s6], $0xF7A  }
0x23: {  	s9 =	sor.u32 $0xD0000000, s2;
	s6 =	simm.s32 $0x108;
	_ =	swait.ge @!p0 [sflag:s8], $0x0  }
0x24: {  	s3 =	sadd.s32 $0x88, s3;
	s6 =	simm.s32 @!p1 $0x1082;
	[sflag:s4] =	ssyncset.s32 $0xFFFFF086  }
0x25: {  	[simem:s6], [sflag:s4] =	dma.local [hbm:s3], $0xF7A  }
0x26: {  	[smem:$0x3F9F] =	sst s1;
	(tag) =	ssettag s2;
	_ =	strace s9  }
0x27: {  	s1 =	sld [smem:$0x3FAF]  }
0x28: {  	s2 =	sld [smem:$0x3FB0]  }
0x29: {  	s4 =	sld [smem:$0x3FB2]  }
0x2a: {  	p0 =	seq.s32 s5, $0x0;
	s5 =	sld [smem:$0x3FB3]  }
0x2b: {  	s6 =	sld [smem:$0x3FB4]  }
0x2c: {  	s7 =	sld [smem:$0x3FB5]  }
0x2d: {  	s3 =	simm.s32 $0x108;
	s8 =	sld [smem:$0x3FB6]  }
0x2e: {  	s3 =	simm.s32 @!p0 $0x1082;
	s9 =	sld [smem:$0x3FB7]  }
0x2f: {  	lr =	sadd.s32 s0, s3;
	s0 =	sld [smem:$0x3FAE]  }
0x30: {  	s3 =	sld [smem:$0x3FB1]  }
0x31: {  	[smem:$0x3FBA] =	sst s10  }
0x32: {  	s10 =	sld [smem:$0x3FB8];
	_ =	sdelay $0x3  }
0x33: {  	p0 =	seq.s32 s10, $0x1;
	s10 =	sld [smem:$0x3FBA];
	_ =	sdelay $0x3  }
0x34: {  	[smem:$0x3FBA] =	sst s10  }
0x35: {  	s10 =	sld [smem:$0x3FB9];
	_ =	sdelay $0x3  }
0x36: {  	p1 =	seq.s32 s10, $0x1;
	s10 =	sld [smem:$0x3FBA];
	_ =	sdelay $0x3  }
0x37: {  	[smem:$0x3FBA] =	sst s10  }
0x38: {  	s10 =	sld [smem:$0x3FBB]  }
0x39: {  	_ = 	snop;
	(pc) =	sbr.ind lr, $3  }
0x3a: {  	_ = 	snop  }
0x3b: {  	_ = 	snop  }
0x3c: {  	p2 =	seq.s32 s10, $0x1;
	s10 =	sld [smem:$0x3FBA]  }
0x3d: {  	_ =	shalt  }
0x3e: {  	_ =	shalt  }
0x3f: {  	_ =	shalt  }
0x40: {  	_ =	shalt  }
0x41: {  	_ =	shalt  }
0x42: {  	_ =	shalt  }
0x43: {  	_ =	shalt  }
0x44: {  	_ =	shalt  }
0x45: {  	_ =	shalt  }
0x46: {  	_ =	shalt  }
0x47: {  	_ =	shalt  }
0x48: {  	_ =	shalt  }
0x49: {  	_ =	shalt  }
0x4a: {  	_ =	shalt  }
0x4b: {  	_ =	shalt  }
0x4c: {  	_ =	shalt  }
0x4d: {  	_ =	shalt  }
0x4e: {  	_ =	shalt  }
0x4f: {  	_ =	shalt  }
0x50: {  	_ =	shalt  }
0x51: {  	_ =	shalt  }
0x52: {  	_ =	shalt  }
0x53: {  	_ =	shalt  }
0x54: {  	_ =	shalt  }
0x55: {  	_ =	shalt  }
0x56: {  	_ =	shalt  }
0x57: {  	_ =	shalt  }
0x58: {  	_ =	shalt  }
0x59: {  	_ =	shalt  }
0x5a: {  	_ =	shalt  }
0x5b: {  	_ =	shalt  }
0x5c: {  	_ =	shalt  }
0x5d: {  	_ =	shalt  }
0x5e: {  	_ =	shalt  }
0x5f: {  	_ =	shalt  }
0x60: {  	_ =	shalt  }
0x61: {  	_ =	shalt  }
0x62: {  	_ =	shalt  }
0x63: {  	_ =	shalt  }
0x64: {  	_ =	shalt  }
0x65: {  	_ =	shalt  }
0x66: {  	_ =	shalt  }
0x67: {  	_ =	shalt  }
0x68: {  	_ =	shalt  }
0x69: {  	_ =	shalt  }
0x6a: {  	_ =	shalt  }
0x6b: {  	_ =	shalt  }
0x6c: {  	_ =	shalt  }
0x6d: {  	_ =	shalt  }
0x6e: {  	_ =	shalt  }
0x6f: {  	_ =	shalt  }
0x70: {  	_ =	shalt  }
0x71: {  	_ =	shalt  }
0x72: {  	_ =	shalt  }
0x73: {  	_ =	shalt  }
0x74: {  	_ =	shalt  }
0x75: {  	_ =	shalt  }
0x76: {  	_ =	shalt  }
0x77: {  	_ =	shalt  }
0x78: {  	_ =	shalt  }
0x79: {  	_ =	shalt  }
0x7a: {  	_ =	shalt  }
0x7b: {  	_ =	shalt  }
0x7c: {  	_ =	shalt  }
0x7d: {  	_ =	shalt  }
0x7e: {  	_ =	shalt  }
0x7f: {  	_ =	shalt  }
0x80: {  	_ =	shalt  }
0x81: {  	_ =	shalt  }
0x82: {  	_ =	shalt  }
0x83: {  	_ =	shalt  }
0x84: {  	_ =	shalt  }
0x85: {  	_ =	shalt  }
0x86: {  	_ =	shalt  }
0x87: {  	_ =	shalt  }
.Lfunc_end0:
.L_simem_size_0:
called_computation_lowered:
.L_overlay_start_0:
0x88: {  	s2 =	sld [smem:$0x3FD9]  }
0x89: {  	s3 =	sld [smem:$0x3FFE];
	_ =	sdelay $0x1  }
0x8a: {  	s1 =	srdreg.scid  }
0x8b: {  	s0 =	sand.u32 $0x1, s1  }
0x8c: {  	s17 =	sshll.u32 s0, $0xA;
	s2 =	sadd.s32 s3, s2  }
0x8d: {  	s2 =	sadd.s32 s2, s17  }
0x8e: {  	[smem:$0x3FC6] =	sst s2  }
0x8f: {  	_ = 	snop  }
0x90: {  	s2 =	sld [smem:$0x3FC8]  }
0x91: {  	s18 =	sld [smem:$0x3FD0];
	(tm) =	ssettm $0x1  }
0x92: {  	s4 =	sld [smem:$0x3FFB];
	_ =	sdelay $0x3  }
0x93: {  	_ =	strace s4  }
0x94: {  	s4 =	sld [smem:$0x3FFC];
	_ =	sdelay $0x3  }
0x95: {  	_ =	strace s4  }
0x96: {  	s4 =	sld [smem:$0x3FFD];
	_ =	sdelay $0x3  }
0x97: {  	_ =	strace s4  }
0x98: {  	_ =	strace $0x8FFFFFFF  }
0x99: {  	s19 =	sld [smem:$0x3FDB];
	_ =	sdelay $0x1  }
0x9a: {  	s5 =	simm.s32 $_scs_section_size  }
0x9b: {  	s6 =	simm.s32 $_size__tile_overlayer_lowered;
	s7 =	simm.s32 $_tile_overlayer_lowered  }
0x9c: {  	s22 =	simm.s32 $0x1BFF;
	s21 =	sshll.u32 s7, $0x1;
	s4 =	sadd.s32 s5, s19  }
0x9d: {  	s8 =	simm.s32 $0x0;
	s20 =	sshll.u32 s6, $0x1;
	s6 =	sadd.s32 s21, s4  }
0x9e: {  	[timem:s8], [sflag:s22] =	dma.local [hbm:s6], s20  }
0x9f: {  	_ =	swait.ge [sflag:s22], s20  }
0xa0: {  	s5 =	ssub.s32 $0x0, s20;
	[sflag:s22] =	ssyncset.done $0x0  }
0xa1: {  	[sflag:s22] =	ssyncadd.s32 s5;
	_ =	sdelay $0x1  }
0xa2: {  	s23 =	simm.s32 $0x1B8B  }
0xa3: {  	_ =	swait.ge [sflag:s23], $0x1  }
0xa4: {  	[sflag:s23] =	ssyncset.done $0x0  }
0xa5: {  	s25 =	simm.s32 $0x1B8E;
	s24 =	sld [smem:$0x3FFE];
	[sflag:s23] =	ssyncadd.s32 $0xFFFFFFFF  }
0xa6: {  	s26 =	simm.s32 $execute0_lowered;
	[smem:$0x3FD2] =	sst s25  }
0xa7: {  	s6 =	sshll.u32 s26, $0x1;
	_ =	strace $0x80000046;
	[dreg:$0x1] =	wrdreg $0xFFFFFFFF  }
0xa8: {  	s28 =	simm.s32 $_size_execute0_lowered;
	s4 =	sadd.s32 s4, s6;
	[dreg:$0x0] =	wrdreg $0x0  }
0xa9: {  	s6 =	sshll.u32 s28, $0x1;
	[dreg:$0x2] =	wrdreg s4  }
0xaa: {  	[dreg:$0x3] =	wrdreg s6  }
0xab: {  	[dreg:$0x4] =	wrdreg $0xC0  }
0xac: {  	_ =	task [dreg:s8], $0x5FFFF  }
0xad: {  	[dreg:$0x1] =	wrdreg $0xFFFFFFFF  }
0xae: {  	[dreg:$0x0] =	wrdreg $0x60  }
0xaf: {  	[dreg:$0x2] =	wrdreg s24  }
0xb0: {  	[dreg:$0x3] =	wrdreg s2  }
0xb1: {  	[dreg:$0x4] =	wrdreg s18  }
0xb2: {  	[dreg:$0x5] =	wrdreg $0x9  }
0xb3: {  	_ =	task.clear_ibuf [dreg:s8], $0x6FFFF;
	_ =	strace $0x90000046  }
0xb4: {  	s29 =	simm.s32 $0x9;
	_ =	strace $0x80000048  }
0xb5: {  	_ =	swait.ge [sflag:s29], $0x1  }
0xb6: {  	[sflag:s29] =	ssyncadd.s32 $0xFFFFFFFF  }
0xb7: {  	_ =	strace $0x90000048  }
0xb8: {  	_ =	sfence  }
0xb9: {  	s30 =	sld [smem:$0x0];
	_ =	sdelay $0x2  }
0xba: {  	s31 =	sshll.u32 s1, $0xD;
	s1 =	sshrl.u32 s1, $0x2  }
0xbb: {  	s3 =	sand.u32 $0x4000, s31;
	s1 =	sadd.s32 s1, s30  }
0xbc: {  	s0 =	sor.u32 s3, s0;
	s1 =	sshll.u32 s1, $0x11  }
0xbd: {  	s0 =	sor.u32 s1, s0  }
0xbe: {  	s0 =	sadd.s32 $0x8F2B, s0  }
0xbf: {  	[sflag:s0] =	ssyncadd.remote.s32 $0x1  }
0xc0: {  	_ =	sfence.sel $0xFFFF  }
0xc1: {  	[dreg:$0x0] =	wrdreg $0xFFFFFFFF;
	(pc) =	sbr.abs _section_cstart, $3  }
0xc2: {  	[dreg:$0x1] =	wrdreg $0xFFFFFFFF  }
0xc3: {  	_ =	task.clear_ibuf [dreg:s8], $0x2FFFF;
	_ =	strace $0x9FFFFFFF  }
0xc4: {  	(tm) =	ssettm $0x7FFFFFFF  }
0xc5: {  	_ =	shalt  }
tec
execute0_lowered:
.L_overlay_start_1:
0x0: {  	(tag) =	ssettag $0x1  }
0x1: {  	s0 =	rddreg [dreg:$0x0]  }
0x2: {  	s2 =	rddreg [dreg:$0x1];
	s1 =	srdreg.scid  }
0x3: {  	s4 =	rddreg [dreg:$0x2];
	s13 =	stileid.u32  }
0x4: {  	s3 =	simm.s32 $0x0;
	s14 =	simm.s32 $0x2;
	s26 =	simm.s32 $0xA00  }
0x5: {  	s15 =	simm.s32 $0x200;
	s16 =	simm.s32 $0x1200;
	s17 =	simm.s32 $0x1A00  }
0x6: {  	s18 =	simm.s32 $0x2200;
	s19 =	simm.s32 $0x2A00;
	s20 =	simm.s32 $0x3200  }
0x7: {  	s21 =	simm.s32 $0x3A00;
	s22 =	simm.s32 $0x4200;
	s23 =	simm.s32 $0x4A00  }
0x8: {  	s28 =	simm.s32 $0x6A00;
	s29 =	simm.s32 $0x7200;
	s30 =	simm.s32 $0x7A00  }
0x9: {  	s31 =	simm.s32 $0x1;
	s1 =	sand.u32 $0x1, s1;
	s5 =	sshll.u32 s13, $0xA  }
0xa: {  	[smem:$0x7FF] =	sst s3;
	s8 =	sadd.s32 $0x400, s2;
	s9 =	sadd.s32 $0x500, s2  }
0xb: {  	s10 =	sadd.s32 $0x600, s2;
	s11 =	sadd.s32 $0x700, s2;
	s25 =	sshll.u32 s13, $0x12  }
0xc: {  	s6 =	sshll.u32 s1, $0x9;
	s24 =	ssub.s32 $0x2, s1;
	_ =	strace $0x80000047  }
0xd: {  	s1 =	sshll.u32 s1, $0x11;
	[dreg:$0x4] =	wrdreg s26;
	s5 =	sor.u32 s6, s5  }
0xe: {  	s26 =	simm.s32 $0x6200;
	s7 =	sshrl.u32 s24, $0x1;
	s5 =	sshrl.u32 s5, $0x3  }
0xf: {  	s6 =	sadd.s32 $0x200, s2;
	s12 =	ssub.s32 s24, s7;
	s0 =	sadd.s32 s5, s0  }
0x10: {  	s7 =	sadd.s32 $0x300, s2;
	s24 =	simm.s32 $0x5200;
	s0 =	sadd.s32 $0x400, s0  }
0x11: {  	v2 =	vlaneseq.u32;
	s12 =	smax.u32 s12, $0x1;
	[dreg:$0x5] =	wrdreg s0;
	s0 =	sadd.s32 s25, s4  }
0x12: {  	vm0 =	vmmov $0xffff;
	v1 =	vshrl.u32 v2, $0x3;
	s5 =	sadd.s32 $0x100, s2;
	[dreg:$0x6] =	wrdreg s12;
	s0 =	sadd.s32 s1, s0  }
0x13: {  	v0 =	vand.u32 $0x7, v2;
	v2 =	vor.u32 $0x8, v2;
	v1 =	vmul.u32 $0x8, v1;
	s25 =	simm.s32 $0x5A00;
	s1 =	simm.s32 $0x0;
	[dreg:$0x7] =	wrdreg s0  }
.LBB2_1:
0x14: {  	[dreg:$0x8] =	wrdreg s1  }
0x15: {  	s0 =	rddreg [dreg:$0x5]  }
0x16: {  	[tilespmem:s3], [sflag:$0x2] =	stream.linear.gather [hbm4b:s0+s3], $0x200, $0x38;
	[tilespmem:$0x8200] =	vst v63  }
0x17: {  	_ =	swait.ge [sflag:s14], $0x200  }
0x18: {  	[sflag:s14] =	ssyncset.done $0x0  }
0x19: {  	s4 =	simm.s32 $0x0;
	[sflag:s14] =	ssyncadd.s32 $0xFFFFFE00  }
0x1a: {  	v3 =	vld [tilespmem:s4+$0x0];
	_ =	sdelay $0x4  }
0x1b: {  	v4 =	vshll.u32 v3, $0x4  }
0x1c: {  	v3 =	vand.u32 $0x7, v3;
	v4 =	vand.u32 $0xFFFFFF80, v4  }
0x1d: {  	v3 =	vor.u32 v3, v4  }
0x1e: {  	v4 =	vperm.xlane v3, v0;
	_ =	sdelay $0x1  }
0x1f: {  	v4 =	vadd.s32 v1, v4;
	_ =	sdelay $0x4  }
0x20: {  	[tilespmem:s15], [sflag:$0x1] =	stream.indirect_vreg.gather [hbm4b:s2+s3], $0x80, v4, vm0, $0xb8;
	[tilespmem:$0x8200] =	vst v63  }
0x21: {  	s12 =	rddreg [dreg:$0x4]  }
0x22: {  	[tilespmem:s12], [sflag:$0x1] =	stream.indirect_vreg.gather [hbm4b:s5+s3], $0x80, v4, vm0, $0xb8;
	[tilespmem:$0x8200] =	vst v63  }
0x23: {  	_ = 	snop  }
0x24: {  	[tilespmem:s16], [sflag:$0x1] =	stream.indirect_vreg.gather [hbm4b:s6+s3], $0x80, v4, vm0, $0xb8;
	[tilespmem:$0x8200] =	vst v63  }
0x25: {  	_ = 	snop  }
0x26: {  	[tilespmem:s17], [sflag:$0x1] =	stream.indirect_vreg.gather [hbm4b:s7+s3], $0x80, v4, vm0, $0xb8;
	[tilespmem:$0x8200] =	vst v63  }
0x27: {  	_ = 	snop  }
0x28: {  	[tilespmem:s18], [sflag:$0x1] =	stream.indirect_vreg.gather [hbm4b:s8+s3], $0x80, v4, vm0, $0xb8;
	[tilespmem:$0x8200] =	vst v63  }
0x29: {  	v3 =	vperm.xlane v3, v2  }
0x2a: {  	[tilespmem:s19], [sflag:$0x1] =	stream.indirect_vreg.gather [hbm4b:s9+s3], $0x80, v4, vm0, $0xb8;
	[tilespmem:$0x8200] =	vst v63  }
0x2b: {  	v3 =	vadd.s32 v1, v3  }
0x2c: {  	[tilespmem:s20], [sflag:$0x1] =	stream.indirect_vreg.gather [hbm4b:s10+s3], $0x80, v4, vm0, $0xb8;
	[tilespmem:$0x8200] =	vst v63  }
0x2d: {  	_ = 	snop  }
0x2e: {  	[tilespmem:s21], [sflag:$0x1] =	stream.indirect_vreg.gather [hbm4b:s11+s3], $0x80, v4, vm0, $0xb8;
	[tilespmem:$0x8200] =	vst v63  }
0x2f: {  	_ = 	snop  }
0x30: {  	[tilespmem:s22], [sflag:$0x1] =	stream.indirect_vreg.gather [hbm4b:s2+s3], $0x80, v3, vm0, $0xb8;
	[tilespmem:$0x8200] =	vst v63  }
0x31: {  	_ = 	snop  }
0x32: {  	[tilespmem:s23], [sflag:$0x1] =	stream.indirect_vreg.gather [hbm4b:s5+s3], $0x80, v3, vm0, $0xb8;
	[tilespmem:$0x8200] =	vst v63  }
0x33: {  	_ = 	snop  }
0x34: {  	[tilespmem:s24], [sflag:$0x1] =	stream.indirect_vreg.gather [hbm4b:s6+s3], $0x80, v3, vm0, $0xb8;
	[tilespmem:$0x8200] =	vst v63  }
0x35: {  	_ = 	snop  }
0x36: {  	[tilespmem:s25], [sflag:$0x1] =	stream.indirect_vreg.gather [hbm4b:s7+s3], $0x80, v3, vm0, $0xb8;
	[tilespmem:$0x8200] =	vst v63  }
0x37: {  	_ = 	snop  }
0x38: {  	[tilespmem:s26], [sflag:$0x1] =	stream.indirect_vreg.gather [hbm4b:s8+s3], $0x80, v3, vm0, $0xb8;
	[tilespmem:$0x8200] =	vst v63  }
0x39: {  	_ = 	snop  }
0x3a: {  	[tilespmem:s28], [sflag:$0x1] =	stream.indirect_vreg.gather [hbm4b:s9+s3], $0x80, v3, vm0, $0xb8;
	[tilespmem:$0x8200] =	vst v63  }
0x3b: {  	_ = 	snop  }
0x3c: {  	[tilespmem:s29], [sflag:$0x1] =	stream.indirect_vreg.gather [hbm4b:s10+s3], $0x80, v3, vm0, $0xb8;
	[tilespmem:$0x8200] =	vst v63  }
0x3d: {  	_ = 	snop  }
0x3e: {  	[tilespmem:s30], [sflag:$0x1] =	stream.indirect_vreg.gather [hbm4b:s11+s3], $0x80, v3, vm0, $0xb8;
	[tilespmem:$0x8200] =	vst v63  }
0x3f: {  	_ =	swait.ge [sflag:s31], $0x8000  }
0x40: {  	[sflag:s31] =	ssyncset.done $0x0  }
0x41: {  	s13 =	rddreg [dreg:$0x7];
	[sflag:s31] =	ssyncadd.s32 $0xFFFF8000  }
0x42: {  	[hbm4b:s13+s3] =	stream.linear.scatter [tilespmem:s15], [sflag:$0x2], $0x8000, $0x38;
	[tilespmem:$0x8200] =	vst v63  }
0x43: {  	s4 =	simm.s32 $0x40;
	_ =	swait.ge [sflag:s14], $0x8000  }
0x44: {  	s12 =	simm.s32 $0x80;
	s1 =	sadd.s32 $0x1000, s13;
	[sflag:s14] =	ssyncset.done $0x0  }
.LBB2_2:
0x45: {  	s0 =	sshra.s32 s4, $0x2;
	[sflag:s14] =	ssyncadd.s32 $0xFFFF8000  }
0x46: {  	v3 =	vld [tilespmem:s0+$0x0];
	_ =	sdelay $0x4  }
0x47: {  	v4 =	vshll.u32 v3, $0x4  }
0x48: {  	v3 =	vand.u32 $0x7, v3;
	v4 =	vand.u32 $0xFFFFFF80, v4  }
0x49: {  	v3 =	vor.u32 v3, v4  }
0x4a: {  	v4 =	vperm.xlane v3, v0;
	_ =	sdelay $0x1  }
0x4b: {  	v4 =	vadd.s32 v1, v4;
	_ =	sdelay $0x3  }
0x4c: {  	s4 =	smov.u32 s12  }
0x4d: {  	[tilespmem:s15], [sflag:$0x1] =	stream.indirect_vreg.gather [hbm4b:s2+s3], $0x80, v4, vm0, $0xb8;
	[tilespmem:$0x8200] =	vst v63  }
0x4e: {  	s13 =	sadd.s32 $0x40, s12;
	p0 =	sne.s32 s12, $0x7C0;
	s12 =	rddreg [dreg:$0x4]  }
0x4f: {  	[tilespmem:s12], [sflag:$0x1] =	stream.indirect_vreg.gather [hbm4b:s5+s3], $0x80, v4, vm0, $0xb8;
	[tilespmem:$0x8200] =	vst v63  }
0x50: {  	_ = 	snop  }
0x51: {  	[tilespmem:s16], [sflag:$0x1] =	stream.indirect_vreg.gather [hbm4b:s6+s3], $0x80, v4, vm0, $0xb8;
	[tilespmem:$0x8200] =	vst v63  }
0x52: {  	_ = 	snop  }
0x53: {  	[tilespmem:s17], [sflag:$0x1] =	stream.indirect_vreg.gather [hbm4b:s7+s3], $0x80, v4, vm0, $0xb8;
	[tilespmem:$0x8200] =	vst v63  }
0x54: {  	_ = 	snop  }
0x55: {  	[tilespmem:s18], [sflag:$0x1] =	stream.indirect_vreg.gather [hbm4b:s8+s3], $0x80, v4, vm0, $0xb8;
	[tilespmem:$0x8200] =	vst v63  }
0x56: {  	v3 =	vperm.xlane v3, v2  }
0x57: {  	[tilespmem:s19], [sflag:$0x1] =	stream.indirect_vreg.gather [hbm4b:s9+s3], $0x80, v4, vm0, $0xb8;
	[tilespmem:$0x8200] =	vst v63  }
0x58: {  	v3 =	vadd.s32 v1, v3  }
0x59: {  	[tilespmem:s20], [sflag:$0x1] =	stream.indirect_vreg.gather [hbm4b:s10+s3], $0x80, v4, vm0, $0xb8;
	[tilespmem:$0x8200] =	vst v63  }
0x5a: {  	_ = 	snop  }
0x5b: {  	[tilespmem:s21], [sflag:$0x1] =	stream.indirect_vreg.gather [hbm4b:s11+s3], $0x80, v4, vm0, $0xb8;
	[tilespmem:$0x8200] =	vst v63  }
0x5c: {  	_ = 	snop  }
0x5d: {  	[tilespmem:s22], [sflag:$0x1] =	stream.indirect_vreg.gather [hbm4b:s2+s3], $0x80, v3, vm0, $0xb8;
	[tilespmem:$0x8200] =	vst v63  }
0x5e: {  	_ = 	snop  }
0x5f: {  	[tilespmem:s23], [sflag:$0x1] =	stream.indirect_vreg.gather [hbm4b:s5+s3], $0x80, v3, vm0, $0xb8;
	[tilespmem:$0x8200] =	vst v63  }
0x60: {  	_ = 	snop  }
0x61: {  	[tilespmem:s24], [sflag:$0x1] =	stream.indirect_vreg.gather [hbm4b:s6+s3], $0x80, v3, vm0, $0xb8;
	[tilespmem:$0x8200] =	vst v63  }
0x62: {  	_ = 	snop  }
0x63: {  	[tilespmem:s25], [sflag:$0x1] =	stream.indirect_vreg.gather [hbm4b:s7+s3], $0x80, v3, vm0, $0xb8;
	[tilespmem:$0x8200] =	vst v63  }
0x64: {  	_ = 	snop  }
0x65: {  	[tilespmem:s26], [sflag:$0x1] =	stream.indirect_vreg.gather [hbm4b:s8+s3], $0x80, v3, vm0, $0xb8;
	[tilespmem:$0x8200] =	vst v63  }
0x66: {  	_ = 	snop  }
0x67: {  	[tilespmem:s28], [sflag:$0x1] =	stream.indirect_vreg.gather [hbm4b:s9+s3], $0x80, v3, vm0, $0xb8;
	[tilespmem:$0x8200] =	vst v63  }
0x68: {  	_ = 	snop  }
0x69: {  	[tilespmem:s29], [sflag:$0x1] =	stream.indirect_vreg.gather [hbm4b:s10+s3], $0x80, v3, vm0, $0xb8;
	[tilespmem:$0x8200] =	vst v63  }
0x6a: {  	_ = 	snop  }
0x6b: {  	[tilespmem:s30], [sflag:$0x1] =	stream.indirect_vreg.gather [hbm4b:s11+s3], $0x80, v3, vm0, $0xb8;
	[tilespmem:$0x8200] =	vst v63  }
0x6c: {  	_ =	swait.ge [sflag:s31], $0x8000  }
.Ltmp0:
0x6d: {  	[sflag:s31] =	ssyncset.done $0x0;
	(pc) =	sbr.rel @p0 .LBB2_2-.Ltmp0, $4  }
0x6e: {  	[sflag:s31] =	ssyncadd.s32 $0xFFFF8000  }
0x6f: {  	[hbm4b:s1+s3] =	stream.linear.scatter [tilespmem:s15], [sflag:$0x2], $0x8000, $0x38;
	[tilespmem:$0x8200] =	vst v63  }
0x70: {  	_ =	swait.ge [sflag:s14], $0x8000  }
0x71: {  	s12 =	smov.u32 s13;
	s1 =	sadd.s32 $0x1000, s1;
	[sflag:s14] =	ssyncset.done $0x0  }
0x72: {  	s0 =	sshra.s32 s4, $0x2;
	[sflag:s14] =	ssyncadd.s32 $0xFFFF8000  }
0x73: {  	v3 =	vld [tilespmem:s0+$0x0];
	_ =	sdelay $0x4  }
0x74: {  	v4 =	vshll.u32 v3, $0x4  }
0x75: {  	v3 =	vand.u32 $0x7, v3;
	v4 =	vand.u32 $0xFFFFFF80, v4  }
0x76: {  	v3 =	vor.u32 v3, v4  }
0x77: {  	v4 =	vperm.xlane v3, v0;
	_ =	sdelay $0x1  }
0x78: {  	v4 =	vadd.s32 v1, v4;
	_ =	sdelay $0x4  }
0x79: {  	[tilespmem:s15], [sflag:$0x1] =	stream.indirect_vreg.gather [hbm4b:s2+s3], $0x80, v4, vm0, $0xb8;
	[tilespmem:$0x8200] =	vst v63  }
0x7a: {  	s4 =	rddreg [dreg:$0x4]  }
0x7b: {  	[tilespmem:s4], [sflag:$0x1] =	stream.indirect_vreg.gather [hbm4b:s5+s3], $0x80, v4, vm0, $0xb8;
	[tilespmem:$0x8200] =	vst v63  }
0x7c: {  	_ = 	snop  }
0x7d: {  	[tilespmem:s16], [sflag:$0x1] =	stream.indirect_vreg.gather [hbm4b:s6+s3], $0x80, v4, vm0, $0xb8;
	[tilespmem:$0x8200] =	vst v63  }
0x7e: {  	_ = 	snop  }
0x7f: {  	[tilespmem:s17], [sflag:$0x1] =	stream.indirect_vreg.gather [hbm4b:s7+s3], $0x80, v4, vm0, $0xb8;
	[tilespmem:$0x8200] =	vst v63  }
0x80: {  	_ = 	snop  }
0x81: {  	[tilespmem:s18], [sflag:$0x1] =	stream.indirect_vreg.gather [hbm4b:s8+s3], $0x80, v4, vm0, $0xb8;
	[tilespmem:$0x8200] =	vst v63  }
0x82: {  	v3 =	vperm.xlane v3, v2  }
0x83: {  	[tilespmem:s19], [sflag:$0x1] =	stream.indirect_vreg.gather [hbm4b:s9+s3], $0x80, v4, vm0, $0xb8;
	[tilespmem:$0x8200] =	vst v63  }
0x84: {  	v3 =	vadd.s32 v1, v3  }
0x85: {  	[tilespmem:s20], [sflag:$0x1] =	stream.indirect_vreg.gather [hbm4b:s10+s3], $0x80, v4, vm0, $0xb8;
	[tilespmem:$0x8200] =	vst v63  }
0x86: {  	_ = 	snop  }
0x87: {  	[tilespmem:s21], [sflag:$0x1] =	stream.indirect_vreg.gather [hbm4b:s11+s3], $0x80, v4, vm0, $0xb8;
	[tilespmem:$0x8200] =	vst v63  }
0x88: {  	_ = 	snop  }
0x89: {  	[tilespmem:s22], [sflag:$0x1] =	stream.indirect_vreg.gather [hbm4b:s2+s3], $0x80, v3, vm0, $0xb8;
	[tilespmem:$0x8200] =	vst v63  }
0x8a: {  	_ = 	snop  }
0x8b: {  	[tilespmem:s23], [sflag:$0x1] =	stream.indirect_vreg.gather [hbm4b:s5+s3], $0x80, v3, vm0, $0xb8;
	[tilespmem:$0x8200] =	vst v63  }
0x8c: {  	_ = 	snop  }
0x8d: {  	[tilespmem:s24], [sflag:$0x1] =	stream.indirect_vreg.gather [hbm4b:s6+s3], $0x80, v3, vm0, $0xb8;
	[tilespmem:$0x8200] =	vst v63  }
0x8e: {  	_ = 	snop  }
0x8f: {  	[tilespmem:s25], [sflag:$0x1] =	stream.indirect_vreg.gather [hbm4b:s7+s3], $0x80, v3, vm0, $0xb8;
	[tilespmem:$0x8200] =	vst v63  }
0x90: {  	_ = 	snop  }
0x91: {  	[tilespmem:s26], [sflag:$0x1] =	stream.indirect_vreg.gather [hbm4b:s8+s3], $0x80, v3, vm0, $0xb8;
	[tilespmem:$0x8200] =	vst v63  }
0x92: {  	_ = 	snop  }
0x93: {  	[tilespmem:s28], [sflag:$0x1] =	stream.indirect_vreg.gather [hbm4b:s9+s3], $0x80, v3, vm0, $0xb8;
	[tilespmem:$0x8200] =	vst v63  }
0x94: {  	_ = 	snop  }
0x95: {  	[tilespmem:s29], [sflag:$0x1] =	stream.indirect_vreg.gather [hbm4b:s10+s3], $0x80, v3, vm0, $0xb8;
	[tilespmem:$0x8200] =	vst v63  }
0x96: {  	_ = 	snop  }
0x97: {  	[tilespmem:s30], [sflag:$0x1] =	stream.indirect_vreg.gather [hbm4b:s11+s3], $0x80, v3, vm0, $0xb8;
	[tilespmem:$0x8200] =	vst v63  }
0x98: {  	_ =	swait.ge [sflag:s31], $0x8000  }
0x99: {  	[sflag:s31] =	ssyncset.done $0x0  }
0x9a: {  	[sflag:s31] =	ssyncadd.s32 $0xFFFF8000  }
0x9b: {  	[hbm4b:s1+s3] =	stream.linear.scatter [tilespmem:s15], [sflag:$0x2], $0x8000, $0x38;
	[tilespmem:$0x8200] =	vst v63  }
0x9c: {  	_ =	swait.ge [sflag:s14], $0x8000  }
0x9d: {  	s12 =	rddreg [dreg:$0x8]  }
0x9e: {  	s13 =	rddreg [dreg:$0x6];
	s1 =	sadd.s32 $0x1, s12  }
0x9f: {  	p0 =	sne.s32 s1, s13  }
.Ltmp1:
0xa0: {  	_ = 	snop;
	(pc) =	sbr.rel @p0 .LBB2_1-.Ltmp1, $3  }
0xa1: {  	_ =	sdelay $0x1  }
0xa2: {  	[sflag:s14] =	ssyncset.done $0x0  }
0xa3: {  	[sflag:s14] =	ssyncadd.s32 $0xFFFF8000  }
0xa4: {  	_ =	sfence.sel $0x180000  }
0xa5: {  	[bflag:$0x0] =	sbarrier.arrive $0xFFFF  }
0xa6: {  	_ =	strace $0x90000047  }
0xa7: {  	s0 =	stileid.u32;
	[bflag:$0x2] =	sbarrier.arrive $0xFFFF  }
0xa8: {  	p0 =	sne.s32 s0, $0x0;
	s0 =	rddreg [dreg:$0x3]  }
0xa9: {  	s0 =	sadd.s32 @!p0 $0x100000, s0  }
0xaa: {  	[sflag:s0] =	ssyncadd.tile.s32 @!p0 $0x1;
	_ =	shalt  }
.Lfunc_end2:
_tile_overlayer_lowered:
.L_overlay_start_2:
0xab: {  	(tag) =	ssettag $0x2  }
0xac: {  	s0 =	rddreg [dreg:$0x0];
	s2 =	stileid.u32  }
0xad: {  	s1 =	rddreg [dreg:$0x1];
	p0 =	sne.s32 s2, $0x0  }
0xae: {  	s3 =	rddreg [dreg:$0x2];
	[bflag:$0x3] =	sbarrier.arrive $0xFFFF;
	s2 =	simm.s32 @!p0 $0x1C02  }
0xaf: {  	[timem:s3], [sflag:s2] =	dma.local @!p0 [hbm:s0], s1  }
0xb0: {  	s0 =	simm.s32 @!p0 $0x2  }
0xb1: {  	_ =	swait.ge @!p0 [sflag:s0], s1  }
0xb2: {  	s1 =	ssub.s32 @!p0 $0x0, s1;
	[sflag:s0] =	ssyncset.done @!p0 $0x0  }
0xb3: {  	[sflag:s0] =	ssyncadd.s32 @!p0 s1  }
0xb4: {  	[bflag:$0x3] =	sbarrier.arrive $0xFFFF  }
0xb5: {  	_ =	shalt  }

</sc_bundles>
